<compile_context>
chip_gen: v7x
topology: tpu7x:2x2x1
jax: 0.10.2.dev20260603
libtpu: 0.0.44.dev20260713+nightly
codegen_flags: <defaults>
</compile_context>

<pallas_src>
import functools

import jax
import jax.numpy as jnp
from jax import lax
from jax.experimental import pallas as pl
from jax.experimental.pallas import tpu as pltpu
from jax.experimental.pallas import tpu_sc as plsc

_B = 8
_K = 32
_V = 100000
_HID = 32
_RK = 6
_TEMP = 10.0
_SENTINEL = 2 ** 30

_NC = 2
_WPR = 4
_VPAD = 100096
_CHUNK = _VPAD // _WPR
_BUF = 25088


def _prep_body(dist_ref, vals_ref, w1_ref, b1_ref, w2_ref, b2_ref,
               idx_ref, w_ref):
    dist = dist_ref[...]
    vals = vals_ref[...]

    vj = vals[:, :, None]
    vm = vals[:, None, :]
    eq = vj == vm
    jidx = lax.broadcasted_iota(jnp.int32, (_B, _K, _K), 1)
    midx = lax.broadcasted_iota(jnp.int32, (_B, _K, _K), 2)
    dup = jnp.any(eq & (midx < jidx), axis=2)

    fo = ((~dup) & (vals != 0)).astype(jnp.float32)
    lc = jnp.sum(jnp.where(midx <= jidx, fo[:, None, :], 0.0), axis=2)

    net_in = jnp.concatenate([dist, lc], axis=1)
    w1 = w1_ref[...]
    h = jnp.tanh(jnp.dot(net_in, w1.T) + b1_ref[...])
    w2 = w2_ref[...]
    logits = jnp.dot(h, w2.T) + b2_ref[...]
    net_out = jax.nn.softmax(logits, axis=-1)
    ksp = net_out[:, 1:]

    kk = lax.broadcasted_iota(jnp.int32, (_RK, _K), 1)
    rr = lax.broadcasted_iota(jnp.int32, (_RK, _K), 0)
    pw = jnp.left_shift(jnp.int32(1), rr)
    kmask = jnp.where(kk < pw, 1.0, 1000.0)
    d = dist[:, None, :] * kmask[None, :, :]
    kw = jax.nn.softmax(-d / _TEMP, axis=-1)
    w = jnp.sum(ksp[:, :, None] * kw, axis=1)

    wsum = jnp.sum(jnp.where(eq, w[:, None, :], 0.0), axis=2)
    idx_ref[...] = jnp.where(dup, _SENTINEL, vals).reshape(_B * _K)
    w_ref[...] = jnp.where(dup, 0.0, wsum).reshape(_B * _K)


_prep = pl.pallas_call(
    _prep_body,
    out_shape=[
        jax.ShapeDtypeStruct((_B * _K,), jnp.int32),
        jax.ShapeDtypeStruct((_B * _K,), jnp.float32),
    ],
)


_HALF = 12544


def _sc_scatter_body(idx_hbm, w_hbm, out_hbm, buf, idxv, wv,
                     sem_i, sem_w, sem_o1, sem_o2):
    wid = lax.axis_index("s") * _NC + lax.axis_index("c")
    row = wid // _WPR
    lo = (wid % _WPR) * _CHUNK

    cp_i = pltpu.async_copy(idx_hbm.at[pl.ds(row * _K, _K)], idxv, sem_i)
    cp_w = pltpu.async_copy(w_hbm.at[pl.ds(row * _K, _K)], wv, sem_w)

    zero = jnp.zeros((16,), jnp.float32)

    @pl.loop(0, _HALF, step=256)
    def _(c):
        for i in range(16):
            buf[pl.ds(c + 16 * i, 16)] = zero

    cp_i.wait()
    cp_w.wait()

    def _scatter(rlo, rhi):
        for h in (0, 16):
            rel = idxv[pl.ds(h, 16)] - lo
            mask = (rel >= rlo) & (rel < rhi)
            relc = jnp.clip(rel, 0, _CHUNK - 1)
            plsc.addupdate_scatter(buf, [relc], wv[pl.ds(h, 16)], mask=mask)

    _scatter(0, _HALF)
    cp_o1 = pltpu.async_copy(buf.at[pl.ds(0, _HALF)],
                             out_hbm.at[row, 0, pl.ds(lo, _HALF)], sem_o1)

    @pl.loop(_HALF, _BUF, step=256)
    def _(c):
        for i in range(16):
            buf[pl.ds(c + 16 * i, 16)] = zero

    _scatter(_HALF, _CHUNK)
    cp_o2 = pltpu.async_copy(
        buf.at[pl.ds(_HALF, _CHUNK - _HALF)],
        out_hbm.at[row, 0, pl.ds(lo + _HALF, _CHUNK - _HALF)], sem_o2)
    cp_o1.wait()
    cp_o2.wait()


@functools.cache
def _sc_scatter():
    cp = pltpu.CompilerParams(use_tc_tiling_on_sc=False,
                              needs_layout_passes=False)
    return pl.kernel(
        _sc_scatter_body,
        compiler_params=cp,
        out_type=jax.ShapeDtypeStruct((_B, 1, _VPAD), jnp.float32),
        mesh=plsc.VectorSubcoreMesh(core_axis_name="c", subcore_axis_name="s"),
        scratch_types=[
            pltpu.VMEM((_BUF,), jnp.float32),
            pltpu.VMEM((_K,), jnp.int32),
            pltpu.VMEM((_K,), jnp.float32),
            pltpu.SemaphoreType.DMA,
            pltpu.SemaphoreType.DMA,
            pltpu.SemaphoreType.DMA,
            pltpu.SemaphoreType.DMA,
        ],
    )


def kernel(distances, values, W1, b1, W2, b2):
    dist = distances.reshape(_B, _K)
    vals = values.reshape(_B, _K).astype(jnp.int32)
    idxd, wd = _prep(dist, vals, W1, b1.reshape(1, _HID), W2,
                     b2.reshape(1, _RK + 1))
    padded = _sc_scatter()(idxd, wd)
    return padded[:, :, :_V]

# --- scband reference (transcript-rebuilt; emitter-appended) ---
"""Pipeline reference for scband-adaptive-combiner-72825465471276 (READ-ONLY COPY).

The authoritative reference and input builder live on the scoring server;
editing this copy changes nothing except your own understanding.
"""

import jax, jax.numpy as jnp
import numpy as np
import math

MAX_K = 32
HID = 32
TEMP = 10.0
V = 100000
B, S = 8, 1
N_OUT = 2 + int(math.log(MAX_K, 2))


def setup_inputs(seed: int = 0):
    key = jax.random.key(seed)
    k1, k2, k3, k4 = jax.random.split(key, 4)
    distances = jax.random.uniform(k1, (B, S, MAX_K), jnp.float32) * 100.0
    values = jax.random.randint(k2, (B, S, MAX_K, 1), 0, V)
    W1 = jax.random.normal(k3, (HID, 2 * MAX_K), jnp.float32) * 0.01
    b1 = jnp.zeros((HID,), jnp.float32)
    W2 = jax.random.normal(k4, (N_OUT, HID), jnp.float32) * (1.0 / np.sqrt(HID))
    b2 = jnp.zeros((N_OUT,), jnp.float32)
    return {"distances": distances, "values": values, "W1": W1, "b1": b1, "W2": W2, "b2": b2}


def _get_label_count_segment(values):
    # values: int [B, S, K]
    K = values.shape[-1]
    mask = jnp.triu(jnp.ones((K, K), bool), 1)
    ev = jnp.broadcast_to(values[:, :, None, :], values.shape[:2] + (K, K))
    ev = jnp.where(mask, jnp.array(-1, ev.dtype), ev)
    ls = jnp.sort(ev, axis=-1)
    nz = ((ls[..., 1:] - ls[..., :-1]) != 0).astype(ls.dtype)
    ls = jnp.concatenate([ls[..., :1], ls[..., 1:] * nz], axis=-1)
    counts = (ls != 0).sum(-1)
    counts = counts - (jnp.arange(K) < K - 1).astype(counts.dtype)
    return counts


def reference(distances, values, W1, b1, W2, b2):
    vals = values[..., 0]  # squeeze(-1): [B, S, K]
    label_counts = _get_label_count_segment(vals)
    net_in = jnp.concatenate(
        [jax.lax.stop_gradient(distances), jax.lax.stop_gradient(label_counts.astype(jnp.float32))],
        axis=-1,
    )
    h = jnp.tanh(net_in @ W1.T + b1)
    net_out = jax.nn.softmax(h @ W2.T + b2, axis=-1)  # [B, S, 7]
    lambda_ = 1.0 - net_out[:, :, 0:1]
    k_soft_prob = net_out[:, :, 1:]  # [B, S, R_K]
    K = MAX_K
    k_mask = jnp.triu(jnp.full((K, K), 999.0, jnp.float32), 1) + 1.0
    power_index = jnp.array([2 ** i - 1 for i in range(int(math.log(K, 2)) + 1)])
    k_mask = k_mask[power_index]  # [R_K, K]
    d = distances[:, :, None, :] * k_mask  # [B, S, R_K, K]
    knn_weight = jax.nn.softmax(-d / TEMP, axis=-1)
    w = jnp.matmul(k_soft_prob[:, :, None, :], knn_weight)[:, :, 0, :]  # [B, S, K]
    Bn, Sn = vals.shape[0], vals.shape[1]
    bi = jnp.arange(Bn)[:, None, None]
    si = jnp.arange(Sn)[None, :, None]
    ki = jnp.arange(K)[None, None, :]
    knn_tgt = jnp.zeros((Bn, Sn, K, V), jnp.float32).at[bi, si, ki, vals].set(w)
    prob = knn_tgt.sum(axis=-2)  # [B, S, V]
    return prob

if __name__ == "__main__":
    import jax
    _d = setup_inputs()
    print(jax.jit(kernel)(*tuple(_d.values())))

</pallas_src>

<mosaic_0001>
#map = affine_map<(d0, d1) -> (0)>
#map1 = affine_map<(d0, d1) -> (0, 0, 0)>
module attributes {stable_mosaic.version = 14 : i64} {
  func.func @_sc_scatter_body(%arg0: i32, %arg1: i32, %arg2: memref<256xi32, #tpu.memory_space<hbm>>, %arg3: memref<256xf32, #tpu.memory_space<hbm>>, %arg4: memref<8x1x100096xf32, #tpu.memory_space<hbm>>, %arg5: memref<25088xf32, #tpu.memory_space<vmem>>, %arg6: memref<32xi32, #tpu.memory_space<vmem>>, %arg7: memref<32xf32, #tpu.memory_space<vmem>>, %arg8: memref<!tpu.dma_semaphore, #tpu.memory_space<semaphore_mem>>, %arg9: memref<!tpu.dma_semaphore, #tpu.memory_space<semaphore_mem>>, %arg10: memref<!tpu.dma_semaphore, #tpu.memory_space<semaphore_mem>>, %arg11: memref<!tpu.dma_semaphore, #tpu.memory_space<semaphore_mem>>) attributes {dimension_semantics = [#tpu.dimension_semantics<core_parallel>, #tpu.dimension_semantics<subcore_parallel>], iteration_bounds = array<i64: 2, 16>, scalar_prefetch = 0 : i64, scratch_operands = 7 : i64, tpu.core_type = #tpu.core_type<sc_vector_subcore>, window_params = [{transform_indices = #map}, {transform_indices = #map}, {transform_indices = #map1}]} {
    %mul3A = arith.constant 2 : i32
    %mul3A_0 = arith.muli %arg1, %mul3A : i32
    %add3A = arith.addi %mul3A_0, %arg0 : i32
    %jit3A = arith.constant 4 : i32
    %div3A = arith.divsi %add3A, %jit3A : i32
    %sign3A = arith.constant 0 : i32
    %sign3A_1 = arith.cmpi sgt, %add3A, %sign3A : i32
    %sign3A_2 = arith.extui %sign3A_1 : i1 to i32
    %sign3A_3 = arith.constant 0 : i32
    %sign3A_4 = arith.cmpi slt, %add3A, %sign3A_3 : i32
    %sign3A_5 = arith.extui %sign3A_4 : i1 to i32
    %sign3A_6 = arith.subi %sign3A_2, %sign3A_5 : i32
    %sign3A_7 = arith.constant 0 : i32
    %sign3A_8 = arith.cmpi sgt, %jit3A, %sign3A_7 : i32
    %sign3A_9 = arith.extui %sign3A_8 : i1 to i32
    %sign3A_10 = arith.constant 0 : i32
    %sign3A_11 = arith.cmpi slt, %jit3A, %sign3A_10 : i32
    %sign3A_12 = arith.extui %sign3A_11 : i1 to i32
    %sign3A_13 = arith.subi %sign3A_9, %sign3A_12 : i32
    %ne3A = arith.cmpi ne, %sign3A_6, %sign3A_13 : i32
    %rem3A = arith.remsi %add3A, %jit3A : i32
    %ne3A_14 = arith.constant 0 : i32
    %ne3A_15 = arith.cmpi ne, %rem3A, %ne3A_14 : i32
    %and3A = arith.andi %ne3A, %ne3A_15 : i1
    %sub3A = arith.constant 1 : i32
    %sub3A_16 = arith.subi %div3A, %sub3A : i32
    %select_n3A = arith.select %and3A, %sub3A_16, %div3A : i32
    %jit3A_17 = arith.constant 4 : i32
    %eq3A = arith.constant 0 : i32
    %eq3A_18 = arith.cmpi eq, %jit3A_17, %eq3A : i32
    %jit3A_19 = arith.constant 1 : i32
    %select_n3A_20 = arith.select %eq3A_18, %jit3A_19, %jit3A_17 : i32
    %rem3A_21 = arith.remsi %add3A, %select_n3A_20 : i32
    %ne3A_22 = arith.constant 0 : i32
    %ne3A_23 = arith.cmpi ne, %rem3A_21, %ne3A_22 : i32
    %lt3A = arith.constant 0 : i32
    %lt3A_24 = arith.cmpi slt, %rem3A_21, %lt3A : i32
    %lt3A_25 = arith.constant 0 : i32
    %lt3A_26 = arith.cmpi slt, %select_n3A_20, %lt3A_25 : i32
    %ne3A_27 = arith.xori %lt3A_24, %lt3A_26 : i1
    %and3A_28 = arith.andi %ne3A_27, %ne3A_23 : i1
    %add3A_29 = arith.addi %rem3A_21, %select_n3A_20 : i32
    %select_n3A_30 = arith.select %and3A_28, %add3A_29, %rem3A_21 : i32
    %mul3A_31 = arith.constant 25024 : i32
    %mul3A_32 = arith.muli %select_n3A_30, %mul3A_31 : i32
    %mul3A_33 = arith.constant 32 : i32
    %mul3A_34 = arith.muli %select_n3A, %mul3A_33 : i32
    %dma_start3A = tpu.memref_slice %arg2[%mul3A_34] : memref<256xi32, #tpu.memory_space<hbm>> -> memref<32xi32, #tpu.memory_space<hbm>>
    %dma_start3A_35 = tpu.memref_slice %arg2[%mul3A_34] : memref<256xi32, #tpu.memory_space<hbm>> -> memref<32xi32, #tpu.memory_space<hbm>>
    tpu.enqueue_dma source(%dma_start3A_35 : memref<32xi32, #tpu.memory_space<hbm>>) target(%arg6 : memref<32xi32, #tpu.memory_space<vmem>>) target_semaphore(%arg8 : memref<!tpu.dma_semaphore, #tpu.memory_space<semaphore_mem>>)
    %mul3A_36 = arith.constant 32 : i32
    %mul3A_37 = arith.muli %select_n3A, %mul3A_36 : i32
    %dma_start3A_38 = tpu.memref_slice %arg3[%mul3A_37] : memref<256xf32, #tpu.memory_space<hbm>> -> memref<32xf32, #tpu.memory_space<hbm>>
    %dma_start3A_39 = tpu.memref_slice %arg3[%mul3A_37] : memref<256xf32, #tpu.memory_space<hbm>> -> memref<32xf32, #tpu.memory_space<hbm>>
    tpu.enqueue_dma source(%dma_start3A_39 : memref<32xf32, #tpu.memory_space<hbm>>) target(%arg7 : memref<32xf32, #tpu.memory_space<vmem>>) target_semaphore(%arg9 : memref<!tpu.dma_semaphore, #tpu.memory_space<semaphore_mem>>)
    %broadcast_in_dim3A = arith.constant 0.000000e+00 : f32
    %broadcast_in_dim3A_40 = vector.broadcast %broadcast_in_dim3A : f32 to vector<16xf32>
    %scan3A = arith.constant 0 : i32
    %scan3A_41 = arith.constant 49 : i32
    %scan3A_42 = arith.addi %scan3A, %scan3A_41 : i32
    %scan3A_43 = arith.constant 1 : i32
    scf.for %scan3A_163 = %scan3A to %scan3A_42 step %scan3A_43  : i32 {
      %mul3A_164 = arith.constant 256 : i32
      %mul3A_165 = arith.muli %scan3A_163, %mul3A_164 : i32
      %add3A_166 = arith.constant 0 : i32
      %add3A_167 = arith.addi %add3A_166, %mul3A_165 : i32
      %add3A_168 = arith.constant 0 : i32
      %add3A_169 = arith.addi %add3A_167, %add3A_168 : i32
      %swap3A = arith.index_cast %add3A_169 : i32 to index
      %swap3A_170 = tpu.vector_load %arg5[%swap3A] {strides = array<i32>} : memref<25088xf32, #tpu.memory_space<vmem>>, vector<16xf32>,
      tpu.vector_store %arg5[%swap3A], %broadcast_in_dim3A_40 {strides = array<i32>} : memref<25088xf32, #tpu.memory_space<vmem>>, vector<16xf32>,
      %add3A_171 = arith.constant 16 : i32
      %add3A_172 = arith.addi %add3A_167, %add3A_171 : i32
      %swap3A_173 = arith.index_cast %add3A_172 : i32 to index
      %swap3A_174 = tpu.vector_load %arg5[%swap3A_173] {strides = array<i32>} : memref<25088xf32, #tpu.memory_space<vmem>>, vector<16xf32>,
      tpu.vector_store %arg5[%swap3A_173], %broadcast_in_dim3A_40 {strides = array<i32>} : memref<25088xf32, #tpu.memory_space<vmem>>, vector<16xf32>,
      %add3A_175 = arith.constant 32 : i32
      %add3A_176 = arith.addi %add3A_167, %add3A_175 : i32
      %swap3A_177 = arith.index_cast %add3A_176 : i32 to index
      %swap3A_178 = tpu.vector_load %arg5[%swap3A_177] {strides = array<i32>} : memref<25088xf32, #tpu.memory_space<vmem>>, vector<16xf32>,
      tpu.vector_store %arg5[%swap3A_177], %broadcast_in_dim3A_40 {strides = array<i32>} : memref<25088xf32, #tpu.memory_space<vmem>>, vector<16xf32>,
      %add3A_179 = arith.constant 48 : i32
      %add3A_180 = arith.addi %add3A_167, %add3A_179 : i32
      %swap3A_181 = arith.index_cast %add3A_180 : i32 to index
      %swap3A_182 = tpu.vector_load %arg5[%swap3A_181] {strides = array<i32>} : memref<25088xf32, #tpu.memory_space<vmem>>, vector<16xf32>,
      tpu.vector_store %arg5[%swap3A_181], %broadcast_in_dim3A_40 {strides = array<i32>} : memref<25088xf32, #tpu.memory_space<vmem>>, vector<16xf32>,
      %add3A_183 = arith.constant 64 : i32
      %add3A_184 = arith.addi %add3A_167, %add3A_183 : i32
      %swap3A_185 = arith.index_cast %add3A_184 : i32 to index
      %swap3A_186 = tpu.vector_load %arg5[%swap3A_185] {strides = array<i32>} : memref<25088xf32, #tpu.memory_space<vmem>>, vector<16xf32>,
      tpu.vector_store %arg5[%swap3A_185], %broadcast_in_dim3A_40 {strides = array<i32>} : memref<25088xf32, #tpu.memory_space<vmem>>, vector<16xf32>,
      %add3A_187 = arith.constant 80 : i32
      %add3A_188 = arith.addi %add3A_167, %add3A_187 : i32
      %swap3A_189 = arith.index_cast %add3A_188 : i32 to index
      %swap3A_190 = tpu.vector_load %arg5[%swap3A_189] {strides = array<i32>} : memref<25088xf32, #tpu.memory_space<vmem>>, vector<16xf32>,
      tpu.vector_store %arg5[%swap3A_189], %broadcast_in_dim3A_40 {strides = array<i32>} : memref<25088xf32, #tpu.memory_space<vmem>>, vector<16xf32>,
      %add3A_191 = arith.constant 96 : i32
      %add3A_192 = arith.addi %add3A_167, %add3A_191 : i32
      %swap3A_193 = arith.index_cast %add3A_192 : i32 to index
      %swap3A_194 = tpu.vector_load %arg5[%swap3A_193] {strides = array<i32>} : memref<25088xf32, #tpu.memory_space<vmem>>, vector<16xf32>,
      tpu.vector_store %arg5[%swap3A_193], %broadcast_in_dim3A_40 {strides = array<i32>} : memref<25088xf32, #tpu.memory_space<vmem>>, vector<16xf32>,
      %add3A_195 = arith.constant 112 : i32
      %add3A_196 = arith.addi %add3A_167, %add3A_195 : i32
      %swap3A_197 = arith.index_cast %add3A_196 : i32 to index
      %swap3A_198 = tpu.vector_load %arg5[%swap3A_197] {strides = array<i32>} : memref<25088xf32, #tpu.memory_space<vmem>>, vector<16xf32>,
      tpu.vector_store %arg5[%swap3A_197], %broadcast_in_dim3A_40 {strides = array<i32>} : memref<25088xf32, #tpu.memory_space<vmem>>, vector<16xf32>,
      %add3A_199 = arith.constant 128 : i32
      %add3A_200 = arith.addi %add3A_167, %add3A_199 : i32
      %swap3A_201 = arith.index_cast %add3A_200 : i32 to index
      %swap3A_202 = tpu.vector_load %arg5[%swap3A_201] {strides = array<i32>} : memref<25088xf32, #tpu.memory_space<vmem>>, vector<16xf32>,
      tpu.vector_store %arg5[%swap3A_201], %broadcast_in_dim3A_40 {strides = array<i32>} : memref<25088xf32, #tpu.memory_space<vmem>>, vector<16xf32>,
      %add3A_203 = arith.constant 144 : i32
      %add3A_204 = arith.addi %add3A_167, %add3A_203 : i32
      %swap3A_205 = arith.index_cast %add3A_204 : i32 to index
      %swap3A_206 = tpu.vector_load %arg5[%swap3A_205] {strides = array<i32>} : memref<25088xf32, #tpu.memory_space<vmem>>, vector<16xf32>,
      tpu.vector_store %arg5[%swap3A_205], %broadcast_in_dim3A_40 {strides = array<i32>} : memref<25088xf32, #tpu.memory_space<vmem>>, vector<16xf32>,
      %add3A_207 = arith.constant 160 : i32
      %add3A_208 = arith.addi %add3A_167, %add3A_207 : i32
      %swap3A_209 = arith.index_cast %add3A_208 : i32 to index
      %swap3A_210 = tpu.vector_load %arg5[%swap3A_209] {strides = array<i32>} : memref<25088xf32, #tpu.memory_space<vmem>>, vector<16xf32>,
      tpu.vector_store %arg5[%swap3A_209], %broadcast_in_dim3A_40 {strides = array<i32>} : memref<25088xf32, #tpu.memory_space<vmem>>, vector<16xf32>,
      %add3A_211 = arith.constant 176 : i32
      %add3A_212 = arith.addi %add3A_167, %add3A_211 : i32
      %swap3A_213 = arith.index_cast %add3A_212 : i32 to index
      %swap3A_214 = tpu.vector_load %arg5[%swap3A_213] {strides = array<i32>} : memref<25088xf32, #tpu.memory_space<vmem>>, vector<16xf32>,
      tpu.vector_store %arg5[%swap3A_213], %broadcast_in_dim3A_40 {strides = array<i32>} : memref<25088xf32, #tpu.memory_space<vmem>>, vector<16xf32>,
      %add3A_215 = arith.constant 192 : i32
      %add3A_216 = arith.addi %add3A_167, %add3A_215 : i32
      %swap3A_217 = arith.index_cast %add3A_216 : i32 to index
      %swap3A_218 = tpu.vector_load %arg5[%swap3A_217] {strides = array<i32>} : memref<25088xf32, #tpu.memory_space<vmem>>, vector<16xf32>,
      tpu.vector_store %arg5[%swap3A_217], %broadcast_in_dim3A_40 {strides = array<i32>} : memref<25088xf32, #tpu.memory_space<vmem>>, vector<16xf32>,
      %add3A_219 = arith.constant 208 : i32
      %add3A_220 = arith.addi %add3A_167, %add3A_219 : i32
      %swap3A_221 = arith.index_cast %add3A_220 : i32 to index
      %swap3A_222 = tpu.vector_load %arg5[%swap3A_221] {strides = array<i32>} : memref<25088xf32, #tpu.memory_space<vmem>>, vector<16xf32>,
      tpu.vector_store %arg5[%swap3A_221], %broadcast_in_dim3A_40 {strides = array<i32>} : memref<25088xf32, #tpu.memory_space<vmem>>, vector<16xf32>,
      %add3A_223 = arith.constant 224 : i32
      %add3A_224 = arith.addi %add3A_167, %add3A_223 : i32
      %swap3A_225 = arith.index_cast %add3A_224 : i32 to index
      %swap3A_226 = tpu.vector_load %arg5[%swap3A_225] {strides = array<i32>} : memref<25088xf32, #tpu.memory_space<vmem>>, vector<16xf32>,
      tpu.vector_store %arg5[%swap3A_225], %broadcast_in_dim3A_40 {strides = array<i32>} : memref<25088xf32, #tpu.memory_space<vmem>>, vector<16xf32>,
      %add3A_227 = arith.constant 240 : i32
      %add3A_228 = arith.addi %add3A_167, %add3A_227 : i32
      %swap3A_229 = arith.index_cast %add3A_228 : i32 to index
      %swap3A_230 = tpu.vector_load %arg5[%swap3A_229] {strides = array<i32>} : memref<25088xf32, #tpu.memory_space<vmem>>, vector<16xf32>,
      tpu.vector_store %arg5[%swap3A_229], %broadcast_in_dim3A_40 {strides = array<i32>} : memref<25088xf32, #tpu.memory_space<vmem>>, vector<16xf32>,
    }
    %scan3A_44 = arith.constant 49 : i32
    %dma_wait3A = tpu.memref_slice %arg2[%mul3A_34] : memref<256xi32, #tpu.memory_space<hbm>> -> memref<32xi32, #tpu.memory_space<hbm>>
    %dma_wait3A_45 = tpu.memref_slice %arg2[%mul3A_34] : memref<256xi32, #tpu.memory_space<hbm>> -> memref<32xi32, #tpu.memory_space<hbm>>
    tpu.wait_dma2 semaphore(%arg8 : memref<!tpu.dma_semaphore, #tpu.memory_space<semaphore_mem>>) src(%dma_wait3A_45 : memref<32xi32, #tpu.memory_space<hbm>>) dst(%arg6 : memref<32xi32, #tpu.memory_space<vmem>>)
    %dma_wait3A_46 = tpu.memref_slice %arg3[%mul3A_37] : memref<256xf32, #tpu.memory_space<hbm>> -> memref<32xf32, #tpu.memory_space<hbm>>
    %dma_wait3A_47 = tpu.memref_slice %arg3[%mul3A_37] : memref<256xf32, #tpu.memory_space<hbm>> -> memref<32xf32, #tpu.memory_space<hbm>>
    tpu.wait_dma2 semaphore(%arg9 : memref<!tpu.dma_semaphore, #tpu.memory_space<semaphore_mem>>) src(%dma_wait3A_47 : memref<32xf32, #tpu.memory_space<hbm>>) dst(%arg7 : memref<32xf32, #tpu.memory_space<vmem>>)
    %get3A = arith.constant 0 : index
    %get3A_48 = tpu.vector_load %arg6[%get3A] {strides = array<i32>} : memref<32xi32, #tpu.memory_space<vmem>>, vector<16xi32>,
    %sub3A_49 = vector.broadcast %mul3A_32 : i32 to vector<16xi32>
    %sub3A_50 = arith.subi %get3A_48, %sub3A_49 : vector<16xi32>
    %ge3A = arith.constant 0 : i32
    %ge3A_51 = vector.broadcast %ge3A : i32 to vector<16xi32>
    %ge3A_52 = arith.cmpi sge, %sub3A_50, %ge3A_51 : vector<16xi32>
    %lt3A_53 = arith.constant 12544 : i32
    %lt3A_54 = vector.broadcast %lt3A_53 : i32 to vector<16xi32>
    %lt3A_55 = arith.cmpi slt, %sub3A_50, %lt3A_54 : vector<16xi32>
    %and3A_56 = arith.andi %ge3A_52, %lt3A_55 : vector<16xi1>
    %jit3A_57 = arith.constant 0 : i32
    %jit3A_58 = arith.constant 25023 : i32
    %max3A = vector.broadcast %jit3A_57 : i32 to vector<16xi32>
    %max3A_59 = arith.maxsi %max3A, %sub3A_50 : vector<16xi32>
    %min3A = vector.broadcast %jit3A_58 : i32 to vector<16xi32>
    %min3A_60 = arith.minsi %min3A, %max3A_59 : vector<16xi32>
    %get3A_61 = arith.constant 0 : index
    %get3A_62 = tpu.vector_load %arg7[%get3A_61] {strides = array<i32>} : memref<32xf32, #tpu.memory_space<vmem>>, vector<16xf32>,
    tpu.vector_store_idx %arg5[%min3A_60], %get3A_62 masked %and3A_56 {add = true} : memref<25088xf32, #tpu.memory_space<vmem>>[vector<16xi32>], vector<16xf32>, vector<16xi1>
    %get3A_63 = arith.constant 16 : index
    %get3A_64 = tpu.vector_load %arg6[%get3A_63] {strides = array<i32>} : memref<32xi32, #tpu.memory_space<vmem>>, vector<16xi32>,
    %sub3A_65 = vector.broadcast %mul3A_32 : i32 to vector<16xi32>
    %sub3A_66 = arith.subi %get3A_64, %sub3A_65 : vector<16xi32>
    %ge3A_67 = arith.constant 0 : i32
    %ge3A_68 = vector.broadcast %ge3A_67 : i32 to vector<16xi32>
    %ge3A_69 = arith.cmpi sge, %sub3A_66, %ge3A_68 : vector<16xi32>
    %lt3A_70 = arith.constant 12544 : i32
    %lt3A_71 = vector.broadcast %lt3A_70 : i32 to vector<16xi32>
    %lt3A_72 = arith.cmpi slt, %sub3A_66, %lt3A_71 : vector<16xi32>
    %and3A_73 = arith.andi %ge3A_69, %lt3A_72 : vector<16xi1>
    %jit3A_74 = arith.constant 0 : i32
    %jit3A_75 = arith.constant 25023 : i32
    %max3A_76 = vector.broadcast %jit3A_74 : i32 to vector<16xi32>
    %max3A_77 = arith.maxsi %max3A_76, %sub3A_66 : vector<16xi32>
    %min3A_78 = vector.broadcast %jit3A_75 : i32 to vector<16xi32>
    %min3A_79 = arith.minsi %min3A_78, %max3A_77 : vector<16xi32>
    %get3A_80 = arith.constant 16 : index
    %get3A_81 = tpu.vector_load %arg7[%get3A_80] {strides = array<i32>} : memref<32xf32, #tpu.memory_space<vmem>>, vector<16xf32>,
    tpu.vector_store_idx %arg5[%min3A_79], %get3A_81 masked %and3A_73 {add = true} : memref<25088xf32, #tpu.memory_space<vmem>>[vector<16xi32>], vector<16xf32>, vector<16xi1>
    %dma_start3A_82 = arith.constant 0 : i32
    %dma_start3A_83 = arith.constant 0 : i32
    %dma_start3A_84 = tpu.memref_slice %arg5[%dma_start3A_83] : memref<25088xf32, #tpu.memory_space<vmem>> -> memref<12544xf32, #tpu.memory_space<vmem>>
    %dma_start3A_85 = tpu.memref_slice %arg4[%select_n3A, %dma_start3A_82, %mul3A_32] : memref<8x1x100096xf32, #tpu.memory_space<hbm>> -> memref<1x1x12544xf32, #tpu.memory_space<hbm>>
    %dma_start3A_86 = tpu.memref_squeeze %dma_start3A_85 : memref<1x1x12544xf32, #tpu.memory_space<hbm>> -> memref<12544xf32, #tpu.memory_space<hbm>>
    %dma_start3A_87 = tpu.memref_slice %arg4[%select_n3A, %dma_start3A_82, %mul3A_32] : memref<8x1x100096xf32, #tpu.memory_space<hbm>> -> memref<1x1x12544xf32, #tpu.memory_space<hbm>>
    %dma_start3A_88 = tpu.memref_squeeze %dma_start3A_87 : memref<1x1x12544xf32, #tpu.memory_space<hbm>> -> memref<12544xf32, #tpu.memory_space<hbm>>
    %dma_start3A_89 = arith.constant 0 : i32
    %dma_start3A_90 = tpu.memref_slice %arg5[%dma_start3A_89] : memref<25088xf32, #tpu.memory_space<vmem>> -> memref<12544xf32, #tpu.memory_space<vmem>>
    tpu.enqueue_dma source(%dma_start3A_90 : memref<12544xf32, #tpu.memory_space<vmem>>) target(%dma_start3A_88 : memref<12544xf32, #tpu.memory_space<hbm>>) target_semaphore(%arg10 : memref<!tpu.dma_semaphore, #tpu.memory_space<semaphore_mem>>)
    %scan3A_91 = arith.constant 0 : i32
    %scan3A_92 = arith.constant 49 : i32
    %scan3A_93 = arith.addi %scan3A_91, %scan3A_92 : i32
    %scan3A_94 = arith.constant 1 : i32
    scf.for %scan3A_163 = %scan3A_91 to %scan3A_93 step %scan3A_94  : i32 {
      %mul3A_164 = arith.constant 256 : i32
      %mul3A_165 = arith.muli %scan3A_163, %mul3A_164 : i32
      %add3A_166 = arith.constant 12544 : i32
      %add3A_167 = arith.addi %add3A_166, %mul3A_165 : i32
      %add3A_168 = arith.constant 0 : i32
      %add3A_169 = arith.addi %add3A_167, %add3A_168 : i32
      %swap3A = arith.index_cast %add3A_169 : i32 to index
      %swap3A_170 = tpu.vector_load %arg5[%swap3A] {strides = array<i32>} : memref<25088xf32, #tpu.memory_space<vmem>>, vector<16xf32>,
      tpu.vector_store %arg5[%swap3A], %broadcast_in_dim3A_40 {strides = array<i32>} : memref<25088xf32, #tpu.memory_space<vmem>>, vector<16xf32>,
      %add3A_171 = arith.constant 16 : i32
      %add3A_172 = arith.addi %add3A_167, %add3A_171 : i32
      %swap3A_173 = arith.index_cast %add3A_172 : i32 to index
      %swap3A_174 = tpu.vector_load %arg5[%swap3A_173] {strides = array<i32>} : memref<25088xf32, #tpu.memory_space<vmem>>, vector<16xf32>,
      tpu.vector_store %arg5[%swap3A_173], %broadcast_in_dim3A_40 {strides = array<i32>} : memref<25088xf32, #tpu.memory_space<vmem>>, vector<16xf32>,
      %add3A_175 = arith.constant 32 : i32
      %add3A_176 = arith.addi %add3A_167, %add3A_175 : i32
      %swap3A_177 = arith.index_cast %add3A_176 : i32 to index
      %swap3A_178 = tpu.vector_load %arg5[%swap3A_177] {strides = array<i32>} : memref<25088xf32, #tpu.memory_space<vmem>>, vector<16xf32>,
      tpu.vector_store %arg5[%swap3A_177], %broadcast_in_dim3A_40 {strides = array<i32>} : memref<25088xf32, #tpu.memory_space<vmem>>, vector<16xf32>,
      %add3A_179 = arith.constant 48 : i32
      %add3A_180 = arith.addi %add3A_167, %add3A_179 : i32
      %swap3A_181 = arith.index_cast %add3A_180 : i32 to index
      %swap3A_182 = tpu.vector_load %arg5[%swap3A_181] {strides = array<i32>} : memref<25088xf32, #tpu.memory_space<vmem>>, vector<16xf32>,
      tpu.vector_store %arg5[%swap3A_181], %broadcast_in_dim3A_40 {strides = array<i32>} : memref<25088xf32, #tpu.memory_space<vmem>>, vector<16xf32>,
      %add3A_183 = arith.constant 64 : i32
      %add3A_184 = arith.addi %add3A_167, %add3A_183 : i32
      %swap3A_185 = arith.index_cast %add3A_184 : i32 to index
      %swap3A_186 = tpu.vector_load %arg5[%swap3A_185] {strides = array<i32>} : memref<25088xf32, #tpu.memory_space<vmem>>, vector<16xf32>,
      tpu.vector_store %arg5[%swap3A_185], %broadcast_in_dim3A_40 {strides = array<i32>} : memref<25088xf32, #tpu.memory_space<vmem>>, vector<16xf32>,
      %add3A_187 = arith.constant 80 : i32
      %add3A_188 = arith.addi %add3A_167, %add3A_187 : i32
      %swap3A_189 = arith.index_cast %add3A_188 : i32 to index
      %swap3A_190 = tpu.vector_load %arg5[%swap3A_189] {strides = array<i32>} : memref<25088xf32, #tpu.memory_space<vmem>>, vector<16xf32>,
      tpu.vector_store %arg5[%swap3A_189], %broadcast_in_dim3A_40 {strides = array<i32>} : memref<25088xf32, #tpu.memory_space<vmem>>, vector<16xf32>,
      %add3A_191 = arith.constant 96 : i32
      %add3A_192 = arith.addi %add3A_167, %add3A_191 : i32
      %swap3A_193 = arith.index_cast %add3A_192 : i32 to index
      %swap3A_194 = tpu.vector_load %arg5[%swap3A_193] {strides = array<i32>} : memref<25088xf32, #tpu.memory_space<vmem>>, vector<16xf32>,
      tpu.vector_store %arg5[%swap3A_193], %broadcast_in_dim3A_40 {strides = array<i32>} : memref<25088xf32, #tpu.memory_space<vmem>>, vector<16xf32>,
      %add3A_195 = arith.constant 112 : i32
      %add3A_196 = arith.addi %add3A_167, %add3A_195 : i32
      %swap3A_197 = arith.index_cast %add3A_196 : i32 to index
      %swap3A_198 = tpu.vector_load %arg5[%swap3A_197] {strides = array<i32>} : memref<25088xf32, #tpu.memory_space<vmem>>, vector<16xf32>,
      tpu.vector_store %arg5[%swap3A_197], %broadcast_in_dim3A_40 {strides = array<i32>} : memref<25088xf32, #tpu.memory_space<vmem>>, vector<16xf32>,
      %add3A_199 = arith.constant 128 : i32
      %add3A_200 = arith.addi %add3A_167, %add3A_199 : i32
      %swap3A_201 = arith.index_cast %add3A_200 : i32 to index
      %swap3A_202 = tpu.vector_load %arg5[%swap3A_201] {strides = array<i32>} : memref<25088xf32, #tpu.memory_space<vmem>>, vector<16xf32>,
      tpu.vector_store %arg5[%swap3A_201], %broadcast_in_dim3A_40 {strides = array<i32>} : memref<25088xf32, #tpu.memory_space<vmem>>, vector<16xf32>,
      %add3A_203 = arith.constant 144 : i32
      %add3A_204 = arith.addi %add3A_167, %add3A_203 : i32
      %swap3A_205 = arith.index_cast %add3A_204 : i32 to index
      %swap3A_206 = tpu.vector_load %arg5[%swap3A_205] {strides = array<i32>} : memref<25088xf32, #tpu.memory_space<vmem>>, vector<16xf32>,
      tpu.vector_store %arg5[%swap3A_205], %broadcast_in_dim3A_40 {strides = array<i32>} : memref<25088xf32, #tpu.memory_space<vmem>>, vector<16xf32>,
      %add3A_207 = arith.constant 160 : i32
      %add3A_208 = arith.addi %add3A_167, %add3A_207 : i32
      %swap3A_209 = arith.index_cast %add3A_208 : i32 to index
      %swap3A_210 = tpu.vector_load %arg5[%swap3A_209] {strides = array<i32>} : memref<25088xf32, #tpu.memory_space<vmem>>, vector<16xf32>,
      tpu.vector_store %arg5[%swap3A_209], %broadcast_in_dim3A_40 {strides = array<i32>} : memref<25088xf32, #tpu.memory_space<vmem>>, vector<16xf32>,
      %add3A_211 = arith.constant 176 : i32
      %add3A_212 = arith.addi %add3A_167, %add3A_211 : i32
      %swap3A_213 = arith.index_cast %add3A_212 : i32 to index
      %swap3A_214 = tpu.vector_load %arg5[%swap3A_213] {strides = array<i32>} : memref<25088xf32, #tpu.memory_space<vmem>>, vector<16xf32>,
      tpu.vector_store %arg5[%swap3A_213], %broadcast_in_dim3A_40 {strides = array<i32>} : memref<25088xf32, #tpu.memory_space<vmem>>, vector<16xf32>,
      %add3A_215 = arith.constant 192 : i32
      %add3A_216 = arith.addi %add3A_167, %add3A_215 : i32
      %swap3A_217 = arith.index_cast %add3A_216 : i32 to index
      %swap3A_218 = tpu.vector_load %arg5[%swap3A_217] {strides = array<i32>} : memref<25088xf32, #tpu.memory_space<vmem>>, vector<16xf32>,
      tpu.vector_store %arg5[%swap3A_217], %broadcast_in_dim3A_40 {strides = array<i32>} : memref<25088xf32, #tpu.memory_space<vmem>>, vector<16xf32>,
      %add3A_219 = arith.constant 208 : i32
      %add3A_220 = arith.addi %add3A_167, %add3A_219 : i32
      %swap3A_221 = arith.index_cast %add3A_220 : i32 to index
      %swap3A_222 = tpu.vector_load %arg5[%swap3A_221] {strides = array<i32>} : memref<25088xf32, #tpu.memory_space<vmem>>, vector<16xf32>,
      tpu.vector_store %arg5[%swap3A_221], %broadcast_in_dim3A_40 {strides = array<i32>} : memref<25088xf32, #tpu.memory_space<vmem>>, vector<16xf32>,
      %add3A_223 = arith.constant 224 : i32
      %add3A_224 = arith.addi %add3A_167, %add3A_223 : i32
      %swap3A_225 = arith.index_cast %add3A_224 : i32 to index
      %swap3A_226 = tpu.vector_load %arg5[%swap3A_225] {strides = array<i32>} : memref<25088xf32, #tpu.memory_space<vmem>>, vector<16xf32>,
      tpu.vector_store %arg5[%swap3A_225], %broadcast_in_dim3A_40 {strides = array<i32>} : memref<25088xf32, #tpu.memory_space<vmem>>, vector<16xf32>,
      %add3A_227 = arith.constant 240 : i32
      %add3A_228 = arith.addi %add3A_167, %add3A_227 : i32
      %swap3A_229 = arith.index_cast %add3A_228 : i32 to index
      %swap3A_230 = tpu.vector_load %arg5[%swap3A_229] {strides = array<i32>} : memref<25088xf32, #tpu.memory_space<vmem>>, vector<16xf32>,
      tpu.vector_store %arg5[%swap3A_229], %broadcast_in_dim3A_40 {strides = array<i32>} : memref<25088xf32, #tpu.memory_space<vmem>>, vector<16xf32>,
    }
    %scan3A_95 = arith.constant 49 : i32
    %get3A_96 = arith.constant 0 : index
    %get3A_97 = tpu.vector_load %arg6[%get3A_96] {strides = array<i32>} : memref<32xi32, #tpu.memory_space<vmem>>, vector<16xi32>,
    %sub3A_98 = vector.broadcast %mul3A_32 : i32 to vector<16xi32>
    %sub3A_99 = arith.subi %get3A_97, %sub3A_98 : vector<16xi32>
    %ge3A_100 = arith.constant 12544 : i32
    %ge3A_101 = vector.broadcast %ge3A_100 : i32 to vector<16xi32>
    %ge3A_102 = arith.cmpi sge, %sub3A_99, %ge3A_101 : vector<16xi32>
    %lt3A_103 = arith.constant 25024 : i32
    %lt3A_104 = vector.broadcast %lt3A_103 : i32 to vector<16xi32>
    %lt3A_105 = arith.cmpi slt, %sub3A_99, %lt3A_104 : vector<16xi32>
    %and3A_106 = arith.andi %ge3A_102, %lt3A_105 : vector<16xi1>
    %jit3A_107 = arith.constant 0 : i32
    %jit3A_108 = arith.constant 25023 : i32
    %max3A_109 = vector.broadcast %jit3A_107 : i32 to vector<16xi32>
    %max3A_110 = arith.maxsi %max3A_109, %sub3A_99 : vector<16xi32>
    %min3A_111 = vector.broadcast %jit3A_108 : i32 to vector<16xi32>
    %min3A_112 = arith.minsi %min3A_111, %max3A_110 : vector<16xi32>
    %get3A_113 = arith.constant 0 : index
    %get3A_114 = tpu.vector_load %arg7[%get3A_113] {strides = array<i32>} : memref<32xf32, #tpu.memory_space<vmem>>, vector<16xf32>,
    tpu.vector_store_idx %arg5[%min3A_112], %get3A_114 masked %and3A_106 {add = true} : memref<25088xf32, #tpu.memory_space<vmem>>[vector<16xi32>], vector<16xf32>, vector<16xi1>
    %get3A_115 = arith.constant 16 : index
    %get3A_116 = tpu.vector_load %arg6[%get3A_115] {strides = array<i32>} : memref<32xi32, #tpu.memory_space<vmem>>, vector<16xi32>,
    %sub3A_117 = vector.broadcast %mul3A_32 : i32 to vector<16xi32>
    %sub3A_118 = arith.subi %get3A_116, %sub3A_117 : vector<16xi32>
    %ge3A_119 = arith.constant 12544 : i32
    %ge3A_120 = vector.broadcast %ge3A_119 : i32 to vector<16xi32>
    %ge3A_121 = arith.cmpi sge, %sub3A_118, %ge3A_120 : vector<16xi32>
    %lt3A_122 = arith.constant 25024 : i32
    %lt3A_123 = vector.broadcast %lt3A_122 : i32 to vector<16xi32>
    %lt3A_124 = arith.cmpi slt, %sub3A_118, %lt3A_123 : vector<16xi32>
    %and3A_125 = arith.andi %ge3A_121, %lt3A_124 : vector<16xi1>
    %jit3A_126 = arith.constant 0 : i32
    %jit3A_127 = arith.constant 25023 : i32
    %max3A_128 = vector.broadcast %jit3A_126 : i32 to vector<16xi32>
    %max3A_129 = arith.maxsi %max3A_128, %sub3A_118 : vector<16xi32>
    %min3A_130 = vector.broadcast %jit3A_127 : i32 to vector<16xi32>
    %min3A_131 = arith.minsi %min3A_130, %max3A_129 : vector<16xi32>
    %get3A_132 = arith.constant 16 : index
    %get3A_133 = tpu.vector_load %arg7[%get3A_132] {strides = array<i32>} : memref<32xf32, #tpu.memory_space<vmem>>, vector<16xf32>,
    tpu.vector_store_idx %arg5[%min3A_131], %get3A_133 masked %and3A_125 {add = true} : memref<25088xf32, #tpu.memory_space<vmem>>[vector<16xi32>], vector<16xf32>, vector<16xi1>
    %add3A_134 = arith.constant 12544 : i32
    %add3A_135 = arith.addi %mul3A_32, %add3A_134 : i32
    %dma_start3A_136 = arith.constant 0 : i32
    %dma_start3A_137 = arith.constant 12544 : i32
    %dma_start3A_138 = tpu.memref_slice %arg5[%dma_start3A_137] : memref<25088xf32, #tpu.memory_space<vmem>> -> memref<12480xf32, #tpu.memory_space<vmem>>
    %dma_start3A_139 = tpu.memref_slice %arg4[%select_n3A, %dma_start3A_136, %add3A_135] : memref<8x1x100096xf32, #tpu.memory_space<hbm>> -> memref<1x1x12480xf32, #tpu.memory_space<hbm>>
    %dma_start3A_140 = tpu.memref_squeeze %dma_start3A_139 : memref<1x1x12480xf32, #tpu.memory_space<hbm>> -> memref<12480xf32, #tpu.memory_space<hbm>>
    %dma_start3A_141 = tpu.memref_slice %arg4[%select_n3A, %dma_start3A_136, %add3A_135] : memref<8x1x100096xf32, #tpu.memory_space<hbm>> -> memref<1x1x12480xf32, #tpu.memory_space<hbm>>
    %dma_start3A_142 = tpu.memref_squeeze %dma_start3A_141 : memref<1x1x12480xf32, #tpu.memory_space<hbm>> -> memref<12480xf32, #tpu.memory_space<hbm>>
    %dma_start3A_143 = arith.constant 12544 : i32
    %dma_start3A_144 = tpu.memref_slice %arg5[%dma_start3A_143] : memref<25088xf32, #tpu.memory_space<vmem>> -> memref<12480xf32, #tpu.memory_space<vmem>>
    tpu.enqueue_dma source(%dma_start3A_144 : memref<12480xf32, #tpu.memory_space<vmem>>) target(%dma_start3A_142 : memref<12480xf32, #tpu.memory_space<hbm>>) target_semaphore(%arg11 : memref<!tpu.dma_semaphore, #tpu.memory_space<semaphore_mem>>)
    %dma_wait3A_145 = arith.constant 0 : i32
    %dma_wait3A_146 = arith.constant 0 : i32
    %dma_wait3A_147 = tpu.memref_slice %arg5[%dma_wait3A_146] : memref<25088xf32, #tpu.memory_space<vmem>> -> memref<12544xf32, #tpu.memory_space<vmem>>
    %dma_wait3A_148 = tpu.memref_slice %arg4[%select_n3A, %dma_wait3A_145, %mul3A_32] : memref<8x1x100096xf32, #tpu.memory_space<hbm>> -> memref<1x1x12544xf32, #tpu.memory_space<hbm>>
    %dma_wait3A_149 = tpu.memref_squeeze %dma_wait3A_148 : memref<1x1x12544xf32, #tpu.memory_space<hbm>> -> memref<12544xf32, #tpu.memory_space<hbm>>
    %dma_wait3A_150 = tpu.memref_slice %arg4[%select_n3A, %dma_wait3A_145, %mul3A_32] : memref<8x1x100096xf32, #tpu.memory_space<hbm>> -> memref<1x1x12544xf32, #tpu.memory_space<hbm>>
    %dma_wait3A_151 = tpu.memref_squeeze %dma_wait3A_150 : memref<1x1x12544xf32, #tpu.memory_space<hbm>> -> memref<12544xf32, #tpu.memory_space<hbm>>
    %dma_wait3A_152 = arith.constant 0 : i32
    %dma_wait3A_153 = tpu.memref_slice %arg5[%dma_wait3A_152] : memref<25088xf32, #tpu.memory_space<vmem>> -> memref<12544xf32, #tpu.memory_space<vmem>>
    tpu.wait_dma2 semaphore(%arg10 : memref<!tpu.dma_semaphore, #tpu.memory_space<semaphore_mem>>) src(%dma_wait3A_153 : memref<12544xf32, #tpu.memory_space<vmem>>) dst(%dma_wait3A_151 : memref<12544xf32, #tpu.memory_space<hbm>>)
    %dma_wait3A_154 = arith.constant 0 : i32
    %dma_wait3A_155 = arith.constant 12544 : i32
    %dma_wait3A_156 = tpu.memref_slice %arg5[%dma_wait3A_155] : memref<25088xf32, #tpu.memory_space<vmem>> -> memref<12480xf32, #tpu.memory_space<vmem>>
    %dma_wait3A_157 = tpu.memref_slice %arg4[%select_n3A, %dma_wait3A_154, %add3A_135] : memref<8x1x100096xf32, #tpu.memory_space<hbm>> -> memref<1x1x12480xf32, #tpu.memory_space<hbm>>
    %dma_wait3A_158 = tpu.memref_squeeze %dma_wait3A_157 : memref<1x1x12480xf32, #tpu.memory_space<hbm>> -> memref<12480xf32, #tpu.memory_space<hbm>>
    %dma_wait3A_159 = tpu.memref_slice %arg4[%select_n3A, %dma_wait3A_154, %add3A_135] : memref<8x1x100096xf32, #tpu.memory_space<hbm>> -> memref<1x1x12480xf32, #tpu.memory_space<hbm>>
    %dma_wait3A_160 = tpu.memref_squeeze %dma_wait3A_159 : memref<1x1x12480xf32, #tpu.memory_space<hbm>> -> memref<12480xf32, #tpu.memory_space<hbm>>
    %dma_wait3A_161 = arith.constant 12544 : i32
    %dma_wait3A_162 = tpu.memref_slice %arg5[%dma_wait3A_161] : memref<25088xf32, #tpu.memory_space<vmem>> -> memref<12480xf32, #tpu.memory_space<vmem>>
    tpu.wait_dma2 semaphore(%arg11 : memref<!tpu.dma_semaphore, #tpu.memory_space<semaphore_mem>>) src(%dma_wait3A_162 : memref<12480xf32, #tpu.memory_space<vmem>>) dst(%dma_wait3A_160 : memref<12480xf32, #tpu.memory_space<hbm>>)
    return
  }
}

module attributes {stable_mosaic.version = 14 : i64} {
  func.func @_prep_body(%arg0: memref<8x32xf32, #tpu.memory_space<vmem>>, %arg1: memref<8x32xi32, #tpu.memory_space<vmem>>, %arg2: memref<32x64xf32, #tpu.memory_space<vmem>>, %arg3: memref<1x32xf32, #tpu.memory_space<vmem>>, %arg4: memref<7x32xf32, #tpu.memory_space<vmem>>, %arg5: memref<1x7xf32, #tpu.memory_space<vmem>>, %arg6: memref<256xi32, #tpu.memory_space<vmem>>, %arg7: memref<256xf32, #tpu.memory_space<vmem>>) attributes {dimension_semantics = [], scalar_prefetch = 0 : i64, scratch_operands = 0 : i64, tpu.core_type = #tpu.core_type<tc>} {
    %get3A = arith.constant 0 : index
    %get3A_0 = arith.constant 0 : index
    %get3A_1 = vector.load %arg0[%get3A, %get3A_0] : memref<8x32xf32, #tpu.memory_space<vmem>>, vector<8x32xf32>
    %get3A_2 = arith.constant 0 : index
    %get3A_3 = arith.constant 0 : index
    %get3A_4 = vector.load %arg1[%get3A_2, %get3A_3] : memref<8x32xi32, #tpu.memory_space<vmem>>, vector<8x32xi32>
    %broadcast_in_dim3A = vector.shape_cast %get3A_4 : vector<8x32xi32> to vector<8x32x1xi32>
    %broadcast_in_dim3A_5 = vector.shape_cast %get3A_4 : vector<8x32xi32> to vector<8x1x32xi32>
    %eq3A = vector.broadcast %broadcast_in_dim3A : vector<8x32x1xi32> to vector<8x32x32xi32>
    %eq3A_6 = vector.broadcast %broadcast_in_dim3A_5 : vector<8x1x32xi32> to vector<8x32x32xi32>
    %eq3A_7 = arith.cmpi eq, %eq3A, %eq3A_6 : vector<8x32x32xi32>
    %iota3A = tpu.iota {dimensions = array<i32: 1>} : vector<8x32x32xi32>
    %iota3A_8 = tpu.iota {dimensions = array<i32: 2>} : vector<8x32x32xi32>
    %lt3A = arith.cmpi slt, %iota3A_8, %iota3A : vector<8x32x32xi32>
    %and3A = arith.andi %eq3A_7, %lt3A : vector<8x32x32xi1>
    %reduce_or3A = arith.constant 1.000000e+00 : f32
    %reduce_or3A_9 = arith.constant 0.000000e+00 : f32
    %reduce_or3A_10 = vector.broadcast %reduce_or3A : f32 to vector<8x32x32xf32>
    %reduce_or3A_11 = vector.broadcast %reduce_or3A_9 : f32 to vector<8x32x32xf32>
    %reduce_or3A_12 = arith.select %and3A, %reduce_or3A_10, %reduce_or3A_11 : vector<8x32x32xi1>, vector<8x32x32xf32>
    %reduce_or3A_13 = arith.constant dense<0xFF800000> : vector<8x32xf32>
    %reduce_or3A_14 = vector.multi_reduction <maximumf>, %reduce_or3A_12, %reduce_or3A_13 [2] : vector<8x32x32xf32> to vector<8x32xf32>
    %reduce_or3A_15 = arith.constant 0.000000e+00 : f32
    %reduce_or3A_16 = vector.broadcast %reduce_or3A_15 : f32 to vector<8x32xf32>
    %reduce_or3A_17 = arith.cmpf ogt, %reduce_or3A_14, %reduce_or3A_16 : vector<8x32xf32>
    %not3A = arith.constant dense<true> : vector<8x32xi1>
    %not3A_18 = arith.xori %reduce_or3A_17, %not3A : vector<8x32xi1>
    %ne3A = arith.constant 0 : i32
    %ne3A_19 = vector.broadcast %ne3A : i32 to vector<8x32xi32>
    %ne3A_20 = arith.cmpi ne, %get3A_4, %ne3A_19 : vector<8x32xi32>
    %and3A_21 = arith.andi %not3A_18, %ne3A_20 : vector<8x32xi1>
    %convert_element_type3A = arith.extui %and3A_21 : vector<8x32xi1> to vector<8x32xi32>
    %convert_element_type3A_22 = arith.sitofp %convert_element_type3A : vector<8x32xi32> to vector<8x32xf32>
    %le3A = arith.cmpi sle, %iota3A_8, %iota3A : vector<8x32x32xi32>
    %broadcast_in_dim3A_23 = vector.shape_cast %convert_element_type3A_22 : vector<8x32xf32> to vector<8x1x32xf32>
    %jit3A = arith.constant 0.000000e+00 : f32
    %broadcast_in_dim3A_24 = vector.shape_cast %broadcast_in_dim3A_23 : vector<8x1x32xf32> to vector<8x1x32xf32>
    %broadcast_in_dim3A_25 = vector.broadcast %broadcast_in_dim3A_24 : vector<8x1x32xf32> to vector<8x32x32xf32>
    %broadcast_in_dim3A_26 = vector.broadcast %jit3A : f32 to vector<8x32x32xf32>
    %select_n3A = arith.select %le3A, %broadcast_in_dim3A_25, %broadcast_in_dim3A_26 : vector<8x32x32xi1>, vector<8x32x32xf32>
    %reduce_sum3A = arith.constant dense<0.000000e+00> : vector<8x32xf32>
    %reduce_sum3A_27 = vector.multi_reduction <add>, %select_n3A, %reduce_sum3A [2] : vector<8x32x32xf32> to vector<8x32xf32>
    %concatenate3A = tpu.concatenate %get3A_1, %reduce_sum3A_27 in 1 : vector<8x32xf32>, vector<8x32xf32> -> vector<8x64xf32>
    %get3A_28 = arith.constant 0 : index
    %get3A_29 = arith.constant 0 : index
    %get3A_30 = vector.load %arg2[%get3A_28, %get3A_29] : memref<32x64xf32, #tpu.memory_space<vmem>>, vector<32x64xf32>
    %transpose3A = tpu.transpose %get3A_30, [1, 0] : vector<32x64xf32> -> vector<64x32xf32>
    %dot_general3A = arith.constant dense<0.000000e+00> : vector<8x32xf32>
    %dot_general3A_31 = tpu.matmul %concatenate3A, %transpose3A, %dot_general3A {dimension_numbers = #tpu.dot_dimension_numbers<[1], [0], [0], [1], [0, 0, 1, 1], [], []>, transpose_lhs_hint = false} : vector<8x64xf32>, vector<64x32xf32>, vector<8x32xf32> -> vector<8x32xf32>
    %get3A_32 = arith.constant 0 : index
    %get3A_33 = arith.constant 0 : index
    %get3A_34 = vector.load %arg3[%get3A_32, %get3A_33] : memref<1x32xf32, #tpu.memory_space<vmem>>, vector<1x32xf32>
    %add3A = vector.broadcast %get3A_34 : vector<1x32xf32> to vector<8x32xf32>
    %add3A_35 = arith.addf %dot_general3A_31, %add3A : vector<8x32xf32>
    %tanh3A = math.tanh %add3A_35 : vector<8x32xf32>
    %get3A_36 = arith.constant 0 : index
    %get3A_37 = arith.constant 0 : index
    %get3A_38 = vector.load %arg4[%get3A_36, %get3A_37] : memref<7x32xf32, #tpu.memory_space<vmem>>, vector<7x32xf32>
    %transpose3A_39 = tpu.transpose %get3A_38, [1, 0] : vector<7x32xf32> -> vector<32x7xf32>
    %dot_general3A_40 = arith.constant dense<0.000000e+00> : vector<8x7xf32>
    %dot_general3A_41 = tpu.matmul %tanh3A, %transpose3A_39, %dot_general3A_40 {dimension_numbers = #tpu.dot_dimension_numbers<[1], [0], [0], [1], [0, 0, 1, 1], [], []>, transpose_lhs_hint = false} : vector<8x32xf32>, vector<32x7xf32>, vector<8x7xf32> -> vector<8x7xf32>
    %get3A_42 = arith.constant 0 : index
    %get3A_43 = arith.constant 0 : index
    %get3A_44 = vector.load %arg5[%get3A_42, %get3A_43] : memref<1x7xf32, #tpu.memory_space<vmem>>, vector<1x7xf32>
    %add3A_45 = vector.broadcast %get3A_44 : vector<1x7xf32> to vector<8x7xf32>
    %add3A_46 = arith.addf %dot_general3A_41, %add3A_45 : vector<8x7xf32>
    %reduce_max3A = arith.constant dense<0xFF800000> : vector<8xf32>
    %reduce_max3A_47 = vector.multi_reduction <maximumf>, %add3A_46, %reduce_max3A [1] : vector<8x7xf32> to vector<8xf32>
    %max3A = arith.constant 0xFF800000 : f32
    %max3A_48 = vector.broadcast %max3A : f32 to vector<8xf32>
    %max3A_49 = arith.maximumf %max3A_48, %reduce_max3A_47 : vector<8xf32>
    %broadcast_in_dim3A_50 = vector.shape_cast %max3A_49 : vector<8xf32> to vector<8x1xf32>
    %sub3A = vector.broadcast %broadcast_in_dim3A_50 : vector<8x1xf32> to vector<8x7xf32>
    %sub3A_51 = arith.subf %add3A_46, %sub3A : vector<8x7xf32>
    %exp3A = math.exp %sub3A_51 : vector<8x7xf32>
    %reduce_sum3A_52 = arith.constant dense<0.000000e+00> : vector<8xf32>
    %reduce_sum3A_53 = vector.multi_reduction <add>, %exp3A, %reduce_sum3A_52 [1] : vector<8x7xf32> to vector<8xf32>
    %broadcast_in_dim3A_54 = vector.shape_cast %reduce_sum3A_53 : vector<8xf32> to vector<8x1xf32>
    %div3A = vector.broadcast %broadcast_in_dim3A_54 : vector<8x1xf32> to vector<8x7xf32>
    %div3A_55 = arith.divf %exp3A, %div3A : vector<8x7xf32>
    %slice3A = vector.extract_strided_slice %div3A_55 {offsets = [0, 1], sizes = [8, 6], strides = [1, 1]} : vector<8x7xf32> to vector<8x6xf32>
    %iota3A_56 = tpu.iota {dimensions = array<i32: 1>} : vector<6x32xi32>
    %iota3A_57 = tpu.iota {dimensions = array<i32: 0>} : vector<6x32xi32>
    %shift_left3A = arith.constant 1 : i32
    %shift_left3A_58 = vector.broadcast %shift_left3A : i32 to vector<6x32xi32>
    %shift_left3A_59 = arith.shli %shift_left3A_58, %iota3A_57 : vector<6x32xi32>
    %lt3A_60 = arith.cmpi slt, %iota3A_56, %shift_left3A_59 : vector<6x32xi32>
    %jit3A_61 = arith.constant 1.000000e+00 : f32
    %jit3A_62 = arith.constant 1.000000e+03 : f32
    %broadcast_in_dim3A_63 = vector.broadcast %jit3A_61 : f32 to vector<6x32xf32>
    %broadcast_in_dim3A_64 = vector.broadcast %jit3A_62 : f32 to vector<6x32xf32>
    %select_n3A_65 = arith.select %lt3A_60, %broadcast_in_dim3A_63, %broadcast_in_dim3A_64 : vector<6x32xi1>, vector<6x32xf32>
    %broadcast_in_dim3A_66 = vector.shape_cast %get3A_1 : vector<8x32xf32> to vector<8x1x32xf32>
    %broadcast_in_dim3A_67 = vector.shape_cast %select_n3A_65 : vector<6x32xf32> to vector<1x6x32xf32>
    %mul3A = vector.broadcast %broadcast_in_dim3A_66 : vector<8x1x32xf32> to vector<8x6x32xf32>
    %mul3A_68 = vector.broadcast %broadcast_in_dim3A_67 : vector<1x6x32xf32> to vector<8x6x32xf32>
    %mul3A_69 = arith.mulf %mul3A, %mul3A_68 : vector<8x6x32xf32>
    %neg3A = arith.constant 0.000000e+00 : f32
    %neg3A_70 = vector.broadcast %neg3A : f32 to vector<8x6x32xf32>
    %neg3A_71 = arith.subf %neg3A_70, %mul3A_69 : vector<8x6x32xf32>
    %div3A_72 = arith.constant 1.000000e+01 : f32
    %div3A_73 = vector.broadcast %div3A_72 : f32 to vector<8x6x32xf32>
    %div3A_74 = arith.divf %neg3A_71, %div3A_73 : vector<8x6x32xf32>
    %reduce_max3A_75 = arith.constant dense<0xFF800000> : vector<8x6xf32>
    %reduce_max3A_76 = vector.multi_reduction <maximumf>, %div3A_74, %reduce_max3A_75 [2] : vector<8x6x32xf32> to vector<8x6xf32>
    %max3A_77 = arith.constant 0xFF800000 : f32
    %max3A_78 = vector.broadcast %max3A_77 : f32 to vector<8x6xf32>
    %max3A_79 = arith.maximumf %max3A_78, %reduce_max3A_76 : vector<8x6xf32>
    %broadcast_in_dim3A_80 = vector.shape_cast %max3A_79 : vector<8x6xf32> to vector<8x6x1xf32>
    %sub3A_81 = vector.broadcast %broadcast_in_dim3A_80 : vector<8x6x1xf32> to vector<8x6x32xf32>
    %sub3A_82 = arith.subf %div3A_74, %sub3A_81 : vector<8x6x32xf32>
    %exp3A_83 = math.exp %sub3A_82 : vector<8x6x32xf32>
    %reduce_sum3A_84 = arith.constant dense<0.000000e+00> : vector<8x6xf32>
    %reduce_sum3A_85 = vector.multi_reduction <add>, %exp3A_83, %reduce_sum3A_84 [2] : vector<8x6x32xf32> to vector<8x6xf32>
    %broadcast_in_dim3A_86 = vector.shape_cast %reduce_sum3A_85 : vector<8x6xf32> to vector<8x6x1xf32>
    %div3A_87 = vector.broadcast %broadcast_in_dim3A_86 : vector<8x6x1xf32> to vector<8x6x32xf32>
    %div3A_88 = arith.divf %exp3A_83, %div3A_87 : vector<8x6x32xf32>
    %broadcast_in_dim3A_89 = vector.shape_cast %slice3A : vector<8x6xf32> to vector<8x6x1xf32>
    %mul3A_90 = vector.broadcast %broadcast_in_dim3A_89 : vector<8x6x1xf32> to vector<8x6x32xf32>
    %mul3A_91 = arith.mulf %mul3A_90, %div3A_88 : vector<8x6x32xf32>
    %reduce_sum3A_92 = arith.constant dense<0.000000e+00> : vector<8x32xf32>
    %reduce_sum3A_93 = vector.multi_reduction <add>, %mul3A_91, %reduce_sum3A_92 [1] : vector<8x6x32xf32> to vector<8x32xf32>
    %broadcast_in_dim3A_94 = vector.shape_cast %reduce_sum3A_93 : vector<8x32xf32> to vector<8x1x32xf32>
    %jit3A_95 = arith.constant 0.000000e+00 : f32
    %broadcast_in_dim3A_96 = vector.shape_cast %broadcast_in_dim3A_94 : vector<8x1x32xf32> to vector<8x1x32xf32>
    %broadcast_in_dim3A_97 = vector.broadcast %broadcast_in_dim3A_96 : vector<8x1x32xf32> to vector<8x32x32xf32>
    %broadcast_in_dim3A_98 = vector.broadcast %jit3A_95 : f32 to vector<8x32x32xf32>
    %select_n3A_99 = arith.select %eq3A_7, %broadcast_in_dim3A_97, %broadcast_in_dim3A_98 : vector<8x32x32xi1>, vector<8x32x32xf32>
    %reduce_sum3A_100 = arith.constant dense<0.000000e+00> : vector<8x32xf32>
    %reduce_sum3A_101 = vector.multi_reduction <add>, %select_n3A_99, %reduce_sum3A_100 [2] : vector<8x32x32xf32> to vector<8x32xf32>
    %jit3A_102 = arith.constant 1073741824 : i32
    %broadcast_in_dim3A_103 = vector.broadcast %jit3A_102 : i32 to vector<8x32xi32>
    %select_n3A_104 = arith.select %reduce_or3A_17, %broadcast_in_dim3A_103, %get3A_4 : vector<8x32xi1>, vector<8x32xi32>
    %reshape3A = vector.shape_cast %select_n3A_104 : vector<8x32xi32> to vector<256xi32>
    %swap3A = arith.constant 0 : index
    %swap3A_105 = vector.load %arg6[%swap3A] : memref<256xi32, #tpu.memory_space<vmem>>, vector<256xi32>
    tpu.vector_store %arg6[%swap3A], %reshape3A {strides = array<i32>} : memref<256xi32, #tpu.memory_space<vmem>>, vector<256xi32>,
    %jit3A_106 = arith.constant 0.000000e+00 : f32
    %broadcast_in_dim3A_107 = vector.broadcast %jit3A_106 : f32 to vector<8x32xf32>
    %select_n3A_108 = arith.select %reduce_or3A_17, %broadcast_in_dim3A_107, %reduce_sum3A_101 : vector<8x32xi1>, vector<8x32xf32>
    %reshape3A_109 = vector.shape_cast %select_n3A_108 : vector<8x32xf32> to vector<256xf32>
    %swap3A_110 = arith.constant 0 : index
    %swap3A_111 = vector.load %arg7[%swap3A_110] : memref<256xf32, #tpu.memory_space<vmem>>, vector<256xf32>
    tpu.vector_store %arg7[%swap3A_110], %reshape3A_109 {strides = array<i32>} : memref<256xf32, #tpu.memory_space<vmem>>, vector<256xf32>,
    return
  }
}

</mosaic_0001>

<sc_bundles>
// kernel: kernel.4.cloned.1.call-start
scs
__scs_entry_jumppad:
0x0: {  	(pc) =	sbr.rel $0x88, $3  }
0x1: {  	(tag) =	ssettag $0x0;
	lr =	simm.s32 $0x1  }
0x2: {  	[smem:$0x3F9B] =	sst lr;
	_ =	strace $0xD0000000  }
0x3: {  	_ = 	snop  }
0x4: {  	_ = 	snop  }
0x5: {  	_ = 	snop  }
0x6: {  	_ = 	snop  }
0x7: {  	_ = 	snop  }
__scs_overlays_trampoline_lowered:
0x8: {  	[smem:$0x3FAA] =	sst s0  }
0x9: {  	[smem:$0x3FAB] =	sst s1  }
0xa: {  	[smem:$0x3FAC] =	sst s2  }
0xb: {  	[smem:$0x3FAD] =	sst s3  }
0xc: {  	[smem:$0x3FAE] =	sst s4  }
0xd: {  	[smem:$0x3FAF] =	sst s5  }
0xe: {  	[smem:$0x3FB0] =	sst s6  }
0xf: {  	[smem:$0x3FB1] =	sst s7  }
0x10: {  	[smem:$0x3FB2] =	sst s8  }
0x11: {  	[smem:$0x3FB3] =	sst s9;
	s0 =	simm.s32 @!p0 $0x0  }
0x12: {  	s1 =	sld [smem:$0x3F99];
	s0 =	simm.s32 @p0 $0x1  }
0x13: {  	[smem:$0x3FB4] =	sst s0;
	s0 =	simm.s32 @!p1 $0x0  }
0x14: {  	s2 =	sld [smem:$0x3F98];
	s0 =	simm.s32 @p1 $0x1  }
0x15: {  	[smem:$0x3FB5] =	sst s0;
	s0 =	simm.s32 @!p2 $0x0  }
0x16: {  	s3 =	sld [smem:$0x3FDB];
	s0 =	simm.s32 @p2 $0x1  }
0x17: {  	s4 =	simm.s32 $0x1BF5;
	[smem:$0x3FB7] =	sst s0  }
0x18: {  	s0 =	sld [smem:$0x3F9A];
	_ =	swait.ge [sflag:s4], $0x0  }
0x19: {  	s7 =	sld [smem:$0x3F9B]  }
0x1a: {  	s8 =	sadd.s32 $0xFFFFE003, lr  }
0x1b: {  	s9 =	sadd.s32 $0xFFFFFEF7, lr;
	s5 =	simm.s32 $0xFFFFFFFF;
	p2 =	slt.u32 s8, $0xFFFFF086  }
0x1c: {  	p1 =	slt.u32 s9, $0xF7A;
	s5 =	simm.s32 @!p2 $0x0  }
0x1d: {  	s5 =	simm.s32 @p1 $0x1;
	p0 =	seq.s32 s7, s2  }
0x1e: {  	s7 =	smul.u32 @!p0 $0xF7A, s2;
	p2 =	seq.s32 @!p0 s5, $0x0  }
0x1f: {  	s9 =	smul.u32 $0xF7A, s1;
	s8 =	simm.s32 @!p0 $0x1BF5;
	p2 =	por !p2, p0  }
0x20: {  	[sflag:s8] =	ssyncset.s32 @!p0 $0xFFFFF086;
	s6 =	sadd.s32 @!p0 s3, s7;
	s7 =	simm.s32 @!p0 $0x108  }
0x21: {  	s3 =	sadd.s32 s3, s9;
	s6 =	sadd.s32 @!p0 $0x88, s6;
	s7 =	simm.s32 @p2 $0x1082  }
0x22: {  	[simem:s7], [sflag:s8] =	dma.local @!p0 [hbm:s6], $0xF7A  }
0x23: {  	s9 =	sor.u32 $0xD0000000, s2;
	s6 =	simm.s32 $0x108;
	_ =	swait.ge @!p0 [sflag:s8], $0x0  }
0x24: {  	s3 =	sadd.s32 $0x88, s3;
	s6 =	simm.s32 @!p1 $0x1082;
	[sflag:s4] =	ssyncset.s32 $0xFFFFF086  }
0x25: {  	[simem:s6], [sflag:s4] =	dma.local [hbm:s3], $0xF7A  }
0x26: {  	[smem:$0x3F9B] =	sst s1;
	(tag) =	ssettag s2;
	_ =	strace s9  }
0x27: {  	s1 =	sld [smem:$0x3FAB]  }
0x28: {  	s2 =	sld [smem:$0x3FAC]  }
0x29: {  	s4 =	sld [smem:$0x3FAE]  }
0x2a: {  	p0 =	seq.s32 s5, $0x0;
	s5 =	sld [smem:$0x3FAF]  }
0x2b: {  	s6 =	sld [smem:$0x3FB0]  }
0x2c: {  	s7 =	sld [smem:$0x3FB1]  }
0x2d: {  	s3 =	simm.s32 $0x108;
	s8 =	sld [smem:$0x3FB2]  }
0x2e: {  	s3 =	simm.s32 @!p0 $0x1082;
	s9 =	sld [smem:$0x3FB3]  }
0x2f: {  	lr =	sadd.s32 s0, s3;
	s0 =	sld [smem:$0x3FAA]  }
0x30: {  	s3 =	sld [smem:$0x3FAD]  }
0x31: {  	[smem:$0x3FB6] =	sst s10  }
0x32: {  	s10 =	sld [smem:$0x3FB4];
	_ =	sdelay $0x3  }
0x33: {  	p0 =	seq.s32 s10, $0x1;
	s10 =	sld [smem:$0x3FB6];
	_ =	sdelay $0x3  }
0x34: {  	[smem:$0x3FB6] =	sst s10  }
0x35: {  	s10 =	sld [smem:$0x3FB5];
	_ =	sdelay $0x3  }
0x36: {  	p1 =	seq.s32 s10, $0x1;
	s10 =	sld [smem:$0x3FB6];
	_ =	sdelay $0x3  }
0x37: {  	[smem:$0x3FB6] =	sst s10  }
0x38: {  	s10 =	sld [smem:$0x3FB7]  }
0x39: {  	_ = 	snop;
	(pc) =	sbr.ind lr, $3  }
0x3a: {  	_ = 	snop  }
0x3b: {  	_ = 	snop  }
0x3c: {  	p2 =	seq.s32 s10, $0x1;
	s10 =	sld [smem:$0x3FB6]  }
0x3d: {  	_ =	shalt  }
0x3e: {  	_ =	shalt  }
0x3f: {  	_ =	shalt  }
0x40: {  	_ =	shalt  }
0x41: {  	_ =	shalt  }
0x42: {  	_ =	shalt  }
0x43: {  	_ =	shalt  }
0x44: {  	_ =	shalt  }
0x45: {  	_ =	shalt  }
0x46: {  	_ =	shalt  }
0x47: {  	_ =	shalt  }
0x48: {  	_ =	shalt  }
0x49: {  	_ =	shalt  }
0x4a: {  	_ =	shalt  }
0x4b: {  	_ =	shalt  }
0x4c: {  	_ =	shalt  }
0x4d: {  	_ =	shalt  }
0x4e: {  	_ =	shalt  }
0x4f: {  	_ =	shalt  }
0x50: {  	_ =	shalt  }
0x51: {  	_ =	shalt  }
0x52: {  	_ =	shalt  }
0x53: {  	_ =	shalt  }
0x54: {  	_ =	shalt  }
0x55: {  	_ =	shalt  }
0x56: {  	_ =	shalt  }
0x57: {  	_ =	shalt  }
0x58: {  	_ =	shalt  }
0x59: {  	_ =	shalt  }
0x5a: {  	_ =	shalt  }
0x5b: {  	_ =	shalt  }
0x5c: {  	_ =	shalt  }
0x5d: {  	_ =	shalt  }
0x5e: {  	_ =	shalt  }
0x5f: {  	_ =	shalt  }
0x60: {  	_ =	shalt  }
0x61: {  	_ =	shalt  }
0x62: {  	_ =	shalt  }
0x63: {  	_ =	shalt  }
0x64: {  	_ =	shalt  }
0x65: {  	_ =	shalt  }
0x66: {  	_ =	shalt  }
0x67: {  	_ =	shalt  }
0x68: {  	_ =	shalt  }
0x69: {  	_ =	shalt  }
0x6a: {  	_ =	shalt  }
0x6b: {  	_ =	shalt  }
0x6c: {  	_ =	shalt  }
0x6d: {  	_ =	shalt  }
0x6e: {  	_ =	shalt  }
0x6f: {  	_ =	shalt  }
0x70: {  	_ =	shalt  }
0x71: {  	_ =	shalt  }
0x72: {  	_ =	shalt  }
0x73: {  	_ =	shalt  }
0x74: {  	_ =	shalt  }
0x75: {  	_ =	shalt  }
0x76: {  	_ =	shalt  }
0x77: {  	_ =	shalt  }
0x78: {  	_ =	shalt  }
0x79: {  	_ =	shalt  }
0x7a: {  	_ =	shalt  }
0x7b: {  	_ =	shalt  }
0x7c: {  	_ =	shalt  }
0x7d: {  	_ =	shalt  }
0x7e: {  	_ =	shalt  }
0x7f: {  	_ =	shalt  }
0x80: {  	_ =	shalt  }
0x81: {  	_ =	shalt  }
0x82: {  	_ =	shalt  }
0x83: {  	_ =	shalt  }
0x84: {  	_ =	shalt  }
0x85: {  	_ =	shalt  }
0x86: {  	_ =	shalt  }
0x87: {  	_ =	shalt  }
.Lfunc_end0:
.L_simem_size_0:
called_computation_lowered:
.L_overlay_start_0:
0x88: {  	s2 =	sld [smem:$0x3FD9]  }
0x89: {  	s3 =	sld [smem:$0x3FFE];
	_ =	sdelay $0x1  }
0x8a: {  	s1 =	srdreg.scid  }
0x8b: {  	s0 =	sand.u32 $0x1, s1  }
0x8c: {  	s17 =	sshll.u32 s0, $0xA;
	s2 =	sadd.s32 s3, s2  }
0x8d: {  	s2 =	sadd.s32 s2, s17  }
0x8e: {  	[smem:$0x3FC2] =	sst s2  }
0x8f: {  	_ = 	snop  }
0x90: {  	s2 =	sld [smem:$0x3FD0];
	(tm) =	ssettm $0x1  }
0x91: {  	s18 =	sld [smem:$0x3FFB];
	_ =	sdelay $0x3  }
0x92: {  	_ =	strace s18  }
0x93: {  	s3 =	sld [smem:$0x3FFC];
	_ =	sdelay $0x3  }
0x94: {  	_ =	strace s3  }
0x95: {  	s3 =	sld [smem:$0x3FFD];
	_ =	sdelay $0x3  }
0x96: {  	_ =	strace s3  }
0x97: {  	_ =	strace $0x8FFFFFFF  }
0x98: {  	s19 =	sld [smem:$0x3FDB];
	_ =	sdelay $0x1  }
0x99: {  	s4 =	simm.s32 $_scs_section_size  }
0x9a: {  	s5 =	simm.s32 $_size__tile_overlayer_lowered;
	s6 =	simm.s32 $_tile_overlayer_lowered  }
0x9b: {  	s22 =	simm.s32 $0x1BFF;
	s21 =	sshll.u32 s6, $0x1;
	s3 =	sadd.s32 s4, s19  }
0x9c: {  	s7 =	simm.s32 $0x0;
	s20 =	sshll.u32 s5, $0x1;
	s5 =	sadd.s32 s21, s3  }
0x9d: {  	[timem:s7], [sflag:s22] =	dma.local [hbm:s5], s20  }
0x9e: {  	_ =	swait.ge [sflag:s22], s20  }
0x9f: {  	s4 =	ssub.s32 $0x0, s20;
	[sflag:s22] =	ssyncset.done $0x0  }
0xa0: {  	[sflag:s22] =	ssyncadd.s32 s4;
	_ =	sdelay $0x1  }
0xa1: {  	s23 =	simm.s32 $0x1B8B  }
0xa2: {  	_ =	swait.ge [sflag:s23], $0x1  }
0xa3: {  	[sflag:s23] =	ssyncset.done $0x0  }
0xa4: {  	s25 =	simm.s32 $0x1B8E;
	s24 =	sld [smem:$0x3FFE];
	[sflag:s23] =	ssyncadd.s32 $0xFFFFFFFF  }
0xa5: {  	s26 =	simm.s32 $execute0_lowered;
	[smem:$0x3FD2] =	sst s25  }
0xa6: {  	s5 =	sshll.u32 s26, $0x1;
	_ =	strace $0x80000046;
	[dreg:$0x1] =	wrdreg $0xFFFFFFFF  }
0xa7: {  	s28 =	simm.s32 $_size_execute0_lowered;
	s3 =	sadd.s32 s3, s5;
	[dreg:$0x0] =	wrdreg $0x0  }
0xa8: {  	s5 =	sshll.u32 s28, $0x1;
	[dreg:$0x2] =	wrdreg s3  }
0xa9: {  	[dreg:$0x3] =	wrdreg s5  }
0xaa: {  	[dreg:$0x4] =	wrdreg $0xC0  }
0xab: {  	_ =	task [dreg:s7], $0x5FFFF  }
0xac: {  	[dreg:$0x1] =	wrdreg $0xFFFFFFFF  }
0xad: {  	[dreg:$0x0] =	wrdreg $0x60  }
0xae: {  	[dreg:$0x2] =	wrdreg s24  }
0xaf: {  	[dreg:$0x3] =	wrdreg s2  }
0xb0: {  	[dreg:$0x4] =	wrdreg $0x9  }
0xb1: {  	_ =	task.clear_ibuf [dreg:s7], $0x5FFFF;
	_ =	strace $0x90000046  }
0xb2: {  	s29 =	simm.s32 $0x9;
	_ =	strace $0x80000048  }
0xb3: {  	_ =	swait.ge [sflag:s29], $0x1  }
0xb4: {  	[sflag:s29] =	ssyncadd.s32 $0xFFFFFFFF  }
0xb5: {  	_ =	strace $0x90000048  }
0xb6: {  	_ =	sfence  }
0xb7: {  	s30 =	sld [smem:$0x0];
	_ =	sdelay $0x2  }
0xb8: {  	s31 =	sshll.u32 s1, $0xD;
	s1 =	sshrl.u32 s1, $0x2  }
0xb9: {  	s3 =	sand.u32 $0x4000, s31;
	s1 =	sadd.s32 s1, s30  }
0xba: {  	s0 =	sor.u32 s3, s0;
	s1 =	sshll.u32 s1, $0x11  }
0xbb: {  	s0 =	sor.u32 s1, s0  }
0xbc: {  	s0 =	sadd.s32 $0x8F2B, s0  }
0xbd: {  	[sflag:s0] =	ssyncadd.remote.s32 $0x1  }
0xbe: {  	_ =	sfence.sel $0xFFFF  }
0xbf: {  	[dreg:$0x0] =	wrdreg $0xFFFFFFFF;
	(pc) =	sbr.abs _section_cstart, $3  }
0xc0: {  	[dreg:$0x1] =	wrdreg $0xFFFFFFFF  }
0xc1: {  	_ =	task.clear_ibuf [dreg:s7], $0x2FFFF;
	_ =	strace $0x9FFFFFFF  }
0xc2: {  	(tm) =	ssettm $0x7FFFFFFF  }
0xc3: {  	_ =	shalt  }
tec
execute0_lowered:
.L_overlay_start_1:
0x0: {  	(tag) =	ssettag $0x1  }
0x1: {  	s0 =	stileid.u32;
	s4 =	rddreg [dreg:$0x0]  }
0x2: {  	s1 =	srdreg.scid;
	s5 =	rddreg [dreg:$0x1];
	s9 =	simm.s32 $0x6220  }
0x3: {  	s10 =	simm.s32 $0x1;
	s11 =	simm.s32 $0x2;
	s12 =	simm.s32 $0x3100  }
0x4: {  	s14 =	simm.s32 $0x4;
	s15 =	simm.s32 $0x0;
	s2 =	sshll.u32 s0, $0x1  }
0x5: {  	s3 =	sand.u32 $0x1, s1;
	s6 =	sshrl.u32 s0, $0x1;
	s31 =	sand.u32 $0x2, s2  }
0x6: {  	s2 =	simm.s32 $0x0;
	s7 =	smul.u32 $0x18700, s6;
	s1 =	sor.u32 s3, s31  }
0x7: {  	s6 =	sshll.u32 s6, $0x2;
	[smem:$0x7FF] =	sst s2;
	s13 =	smul.u32 $0x61C0, s1  }
0x8: {  	s3 =	ssub.s32 $0x2, s3;
	s6 =	sadd.s32 s6, s4;
	s1 =	rddreg [dreg:$0x2]  }
0x9: {  	_ =	strace $0x80000047;
	s8 =	sshrl.u32 s3, $0x1;
	s7 =	sadd.s32 s7, s13  }
0xa: {  	s4 =	sadd.s32 $0x1600, s6;
	s8 =	ssub.s32 s3, s8;
	s7 =	sshrl.u32 s7, $0x3  }
0xb: {  	v0 =	vmov s13;
	s13 =	simm.s32 $0x3;
	s3 =	sadd.s32 s5, s7;
	s5 =	sadd.s32 $0x1800, s6  }
0xc: {  	v1 =	vimm.f32 $0.0e+00;
	s7 =	smax.u32 s8, $0x1;
	s8 =	simm.s32 $0x6200;
	s6 =	sadd.s32 $0x620, s3  }
.LBB2_1:
0xd: {  	[tilespmem:s8], [sflag:$0x1] =	stream.linear.gather [hbm4b:s4+s2], $0x20, $0x38;
	[tilespmem:$0x6240] =	vst v63  }
0xe: {  	s16 =	simm.s32 $0x0;
	s17 =	simm.s32 $0x400  }
0xf: {  	[tilespmem:s9], [sflag:$0x2] =	stream.linear.gather [hbm4b:s5+s2], $0x20, $0x38;
	[tilespmem:$0x6240] =	vst v63  }
.LBB2_2:
0x10: {  	p0 =	sne.s32 s17, $0xC000;
	[tilespmem:s16+$0xF0] =	vst v1  }
0x11: {  	[tilespmem:s16+$0x0] =	vst v1  }
0x12: {  	[tilespmem:s16+$0x10] =	vst v1  }
0x13: {  	[tilespmem:s16+$0x20] =	vst v1  }
0x14: {  	[tilespmem:s16+$0x30] =	vst v1  }
0x15: {  	[tilespmem:s16+$0x40] =	vst v1  }
0x16: {  	[tilespmem:s16+$0x50] =	vst v1  }
0x17: {  	[tilespmem:s16+$0x60] =	vst v1  }
0x18: {  	[tilespmem:s16+$0x70] =	vst v1  }
0x19: {  	[tilespmem:s16+$0x80] =	vst v1  }
0x1a: {  	[tilespmem:s16+$0x90] =	vst v1  }
.Ltmp0:
0x1b: {  	[tilespmem:s16+$0xA0] =	vst v1;
	(pc) =	sbr.rel @p0 .LBB2_2-.Ltmp0, $4  }
0x1c: {  	[tilespmem:s16+$0xB0] =	vst v1  }
0x1d: {  	[tilespmem:s16+$0xC0] =	vst v1  }
0x1e: {  	[tilespmem:s16+$0xD0] =	vst v1  }
0x1f: {  	[tilespmem:s16+$0xE0] =	vst v1;
	s16 =	sshra.s32 s17, $0x2;
	s17 =	sadd.s32 $0x400, s17  }
0x20: {  	[tilespmem:s16+$0xF0] =	vst v1  }
0x21: {  	[tilespmem:s16+$0x0] =	vst v1  }
0x22: {  	[tilespmem:s16+$0x10] =	vst v1  }
0x23: {  	[tilespmem:s16+$0x20] =	vst v1  }
0x24: {  	[tilespmem:s16+$0x30] =	vst v1  }
0x25: {  	[tilespmem:s16+$0x40] =	vst v1  }
0x26: {  	[tilespmem:s16+$0x50] =	vst v1  }
0x27: {  	[tilespmem:s16+$0x60] =	vst v1  }
0x28: {  	[tilespmem:s16+$0x70] =	vst v1  }
0x29: {  	[tilespmem:s16+$0x80] =	vst v1  }
0x2a: {  	[tilespmem:s16+$0x90] =	vst v1  }
0x2b: {  	[tilespmem:s16+$0xA0] =	vst v1  }
0x2c: {  	[tilespmem:s16+$0xB0] =	vst v1  }
0x2d: {  	[tilespmem:s16+$0xC0] =	vst v1  }
0x2e: {  	[tilespmem:s16+$0xD0] =	vst v1  }
0x2f: {  	[tilespmem:s16+$0xE0] =	vst v1  }
0x30: {  	_ =	swait.ge [sflag:s10], $0x20  }
0x31: {  	[sflag:s10] =	ssyncset.done $0x0  }
0x32: {  	[sflag:s10] =	ssyncadd.s32 $0xFFFFFFE0  }
0x33: {  	_ =	swait.ge [sflag:s11], $0x20  }
0x34: {  	[sflag:s11] =	ssyncset.done $0x0  }
0x35: {  	[sflag:s11] =	ssyncadd.s32 $0xFFFFFFE0  }
0x36: {  	v2 =	vld [tilespmem:$0x6200];
	_ =	sdelay $0x4  }
0x37: {  	v2 =	vsub.s32 v2, v0  }
0x38: {  	vm0 =	vgt.s32 v2, $0x0  }
0x39: {  	vm1 =	vlt.u32 v2, $0x3100;
	v2 =	vnsel vm0, $0x0, v2  }
0x3a: {  	v3 =	vld [tilespmem:$0x6220];
	v2 =	vmin.u32 v2, $0x61BF;
	_ =	sdelay $0x3  }
0x3b: {  	s31 =	simm.s32 $0x0  }
0x3c: {  	[tilespmem:v2+s31+$0x0] =	vst.idx.add.f32.msk vm1, v3  }
0x3d: {  	v2 =	vld [tilespmem:$0x6210];
	_ =	sdelay $0x4  }
0x3e: {  	v2 =	vsub.s32 v2, v0  }
0x3f: {  	vm14 =	vgt.s32 v2, $0x0  }
0x40: {  	vm15 =	vlt.u32 v2, $0x3100;
	v2 =	vnsel vm14, $0x0, v2  }
0x41: {  	v3 =	vld [tilespmem:$0x6230];
	v2 =	vmin.u32 v2, $0x61BF;
	_ =	sdelay $0x4  }
0x42: {  	s16 =	simm.s32 $0x0;
	s17 =	simm.s32 $0x400;
	[tilespmem:v2+s31+$0x0] =	vst.idx.add.f32.msk vm15, v3  }
0x43: {  	[hbm4b:s3+s31] =	stream.linear.scatter [tilespmem:s31], [sflag:$0x3], $0x3100, $0x38;
	[tilespmem:$0x6240] =	vst v63  }
.LBB2_4:
0x44: {  	p0 =	sne.s32 s17, $0xC000;
	[tilespmem:s16+$0x31F0] =	vst v1  }
0x45: {  	[tilespmem:s16+$0x3100] =	vst v1  }
0x46: {  	[tilespmem:s16+$0x3110] =	vst v1  }
0x47: {  	[tilespmem:s16+$0x3120] =	vst v1  }
0x48: {  	[tilespmem:s16+$0x3130] =	vst v1  }
0x49: {  	[tilespmem:s16+$0x3140] =	vst v1  }
0x4a: {  	[tilespmem:s16+$0x3150] =	vst v1  }
0x4b: {  	[tilespmem:s16+$0x3160] =	vst v1  }
0x4c: {  	[tilespmem:s16+$0x3170] =	vst v1  }
0x4d: {  	[tilespmem:s16+$0x3180] =	vst v1  }
0x4e: {  	[tilespmem:s16+$0x3190] =	vst v1  }
.Ltmp1:
0x4f: {  	[tilespmem:s16+$0x31A0] =	vst v1;
	(pc) =	sbr.rel @p0 .LBB2_4-.Ltmp1, $4  }
0x50: {  	[tilespmem:s16+$0x31B0] =	vst v1  }
0x51: {  	[tilespmem:s16+$0x31C0] =	vst v1  }
0x52: {  	[tilespmem:s16+$0x31D0] =	vst v1  }
0x53: {  	[tilespmem:s16+$0x31E0] =	vst v1;
	s16 =	sshra.s32 s17, $0x2;
	s17 =	sadd.s32 $0x400, s17  }
0x54: {  	[tilespmem:s16+$0x31F0] =	vst v1  }
0x55: {  	[tilespmem:s16+$0x3100] =	vst v1  }
0x56: {  	[tilespmem:s16+$0x3110] =	vst v1  }
0x57: {  	[tilespmem:s16+$0x3120] =	vst v1  }
0x58: {  	[tilespmem:s16+$0x3130] =	vst v1  }
0x59: {  	[tilespmem:s16+$0x3140] =	vst v1  }
0x5a: {  	[tilespmem:s16+$0x3150] =	vst v1  }
0x5b: {  	[tilespmem:s16+$0x3160] =	vst v1  }
0x5c: {  	[tilespmem:s16+$0x3170] =	vst v1  }
0x5d: {  	[tilespmem:s16+$0x3180] =	vst v1  }
0x5e: {  	[tilespmem:s16+$0x3190] =	vst v1  }
0x5f: {  	[tilespmem:s16+$0x31A0] =	vst v1  }
0x60: {  	[tilespmem:s16+$0x31B0] =	vst v1  }
0x61: {  	[tilespmem:s16+$0x31C0] =	vst v1  }
0x62: {  	[tilespmem:s16+$0x31D0] =	vst v1  }
0x63: {  	[tilespmem:s16+$0x31E0] =	vst v1  }
0x64: {  	v2 =	vld [tilespmem:$0x6200];
	_ =	sdelay $0x4  }
0x65: {  	v2 =	vsub.s32 v2, v0  }
0x66: {  	v3 =	vadd.s32 $0xFFFFCF00, v2;
	vm0 =	vgt.s32 v2, $0x0  }
0x67: {  	vm1 =	vlt.u32 v3, $0x30C0;
	v2 =	vnsel vm0, $0x0, v2  }
0x68: {  	v3 =	vld [tilespmem:$0x6220];
	v2 =	vmin.u32 v2, $0x61BF;
	_ =	sdelay $0x4  }
0x69: {  	[tilespmem:v2+s2+$0x0] =	vst.idx.add.f32.msk vm1, v3  }
0x6a: {  	v2 =	vld [tilespmem:$0x6210];
	_ =	sdelay $0x4  }
0x6b: {  	v2 =	vsub.s32 v2, v0  }
0x6c: {  	v3 =	vadd.s32 $0xFFFFCF00, v2;
	vm14 =	vgt.s32 v2, $0x0  }
0x6d: {  	vm15 =	vlt.u32 v3, $0x30C0;
	v2 =	vnsel vm14, $0x0, v2  }
0x6e: {  	v3 =	vld [tilespmem:$0x6230];
	v2 =	vmin.u32 v2, $0x61BF;
	_ =	sdelay $0x4  }
0x6f: {  	s15 =	sadd.s32 $0x1, s15;
	[tilespmem:v2+s2+$0x0] =	vst.idx.add.f32.msk vm15, v3  }
0x70: {  	[hbm4b:s6+s2] =	stream.linear.scatter [tilespmem:s12], [sflag:$0x4], $0x30C0, $0x38;
	[tilespmem:$0x6240] =	vst v63  }
0x71: {  	p0 =	sne.s32 s15, s7;
	_ =	swait.ge [sflag:s13], $0x3100  }
.Ltmp2:
0x72: {  	[sflag:s13] =	ssyncset.done $0x0;
	(pc) =	sbr.rel @p0 .LBB2_1-.Ltmp2, $4  }
0x73: {  	[sflag:s13] =	ssyncadd.s32 $0xFFFFCF00  }
0x74: {  	_ =	swait.ge [sflag:s14], $0x30C0  }
0x75: {  	[sflag:s14] =	ssyncset.done $0x0  }
0x76: {  	[sflag:s14] =	ssyncadd.s32 $0xFFFFCF40  }
0x77: {  	_ =	sfence.sel $0x180000  }
0x78: {  	[bflag:$0x0] =	sbarrier.arrive $0xFFFF  }
0x79: {  	p0 =	sne.s32 s0, $0x0;
	_ =	strace $0x90000047  }
0x7a: {  	s0 =	sadd.s32 @!p0 $0x100000, s1;
	[bflag:$0x2] =	sbarrier.arrive $0xFFFF  }
0x7b: {  	[sflag:s0] =	ssyncadd.tile.s32 @!p0 $0x1;
	_ =	shalt  }
.Lfunc_end2:
_tile_overlayer_lowered:
.L_overlay_start_2:
0x7c: {  	(tag) =	ssettag $0x2  }
0x7d: {  	s0 =	rddreg [dreg:$0x0];
	s2 =	stileid.u32  }
0x7e: {  	s1 =	rddreg [dreg:$0x1];
	p0 =	sne.s32 s2, $0x0  }
0x7f: {  	s3 =	rddreg [dreg:$0x2];
	[bflag:$0x3] =	sbarrier.arrive $0xFFFF;
	s2 =	simm.s32 @!p0 $0x1C05  }
0x80: {  	[timem:s3], [sflag:s2] =	dma.local @!p0 [hbm:s0], s1  }
0x81: {  	s0 =	simm.s32 @!p0 $0x5  }
0x82: {  	_ =	swait.ge @!p0 [sflag:s0], s1  }
0x83: {  	s1 =	ssub.s32 @!p0 $0x0, s1;
	[sflag:s0] =	ssyncset.done @!p0 $0x0  }
0x84: {  	[sflag:s0] =	ssyncadd.s32 @!p0 s1  }
0x85: {  	[bflag:$0x3] =	sbarrier.arrive $0xFFFF  }
0x86: {  	_ =	shalt  }

</sc_bundles>
